<compile_context>
chip_gen: v7x
topology: tpu7x:2x2x1
jax: 0.10.2.dev20260603
libtpu: 0.0.44.dev20260713+nightly
codegen_flags: <defaults>
</compile_context>

<pallas_src>
import functools

import jax
import jax.numpy as jnp
from jax import lax
from jax.experimental import pallas as pl
from jax.experimental.pallas import tpu as pltpu
from jax.experimental.pallas import tpu_sc as plsc

MAX_LEN = 4096




@functools.cache
def _make_gather(T: int, D: int, B: int):
    info = plsc.get_sparse_core_info()
    NC, NS = info.num_cores, info.num_subcores
    NW = NC * NS
    assert B % (8 * NW) == 0
    b_per_w = B // NW
    mesh = plsc.VectorSubcoreMesh(core_axis_name="c", subcore_axis_name="s")

    @functools.partial(
        pl.kernel,
        mesh=mesh,
        out_type=jax.ShapeDtypeStruct((B, D), jnp.float32),
        scratch_types=[
            pltpu.VMEM((b_per_w,), jnp.int32),
            pltpu.VMEM((b_per_w, D), jnp.float32),
            pltpu.SemaphoreType.DMA,
        ],
    )
    def k(feature_hbm, idx_hbm, out_hbm, idx_v, rows_v, sem):
        wid = lax.axis_index("s") * NC + lax.axis_index("c")
        base = wid * b_per_w
        pltpu.sync_copy(idx_hbm.at[pl.ds(base, b_per_w)], idx_v)
        pltpu.async_copy(feature_hbm.at[idx_v], rows_v, sem).wait()
        pltpu.sync_copy(rows_v, out_hbm.at[pl.ds(base, b_per_w)])

    return k


def kernel(feature):
    t, d = feature.shape
    if t <= MAX_LEN:
        return jnp.pad(feature, ((0, MAX_LEN - t), (0, 0)))
    r = jnp.floor(jnp.linspace(0.0, float(t - 1), MAX_LEN)).astype(jnp.int32)
    return _make_gather(t, d, MAX_LEN)(feature, r)

# --- scband reference (transcript-rebuilt; emitter-appended) ---
"""Pipeline reference for scband-uniform-subsample-or-pad-71811853189401 (READ-ONLY COPY).

The authoritative reference and input builder live on the scoring server;
editing this copy changes nothing except your own understanding.
"""

import jax, jax.numpy as jnp
import numpy as np

MAX_SEQ_LEN = 4096
T = 16384
D = 512

def setup_inputs(seed: int = 0) -> dict:
    key = jax.random.key(seed)
    feature = jax.random.normal(key, (T, D), dtype=jnp.float32)
    return {"feature": feature}

def reference(feature):
    t = feature.shape[0]
    if t > MAX_SEQ_LEN:
        # torch.linspace(0, t-1, MAX_SEQ_LEN, dtype=torch.int32) computes float
        # linspace then truncates to int; values are nonnegative so floor == trunc.
        r = jnp.floor(jnp.linspace(0.0, float(t - 1), MAX_SEQ_LEN)).astype(jnp.int32)
        out = feature[r, :]  # gather rows -> SparseCore-friendly
    else:
        pad_rows = MAX_SEQ_LEN - t
        out = jnp.pad(feature, ((0, pad_rows), (0, 0)), mode="constant", constant_values=0.0)
    return out

if __name__ == "__main__":
    import jax
    _d = setup_inputs()
    print(jax.jit(kernel)(*tuple(_d.values())))

</pallas_src>

<mosaic_0001>
#map = affine_map<(d0, d1) -> (0, 0)>
#map1 = affine_map<(d0, d1) -> (0)>
module attributes {stable_mosaic.version = 14 : i64} {
  func.func @k(%arg0: i32, %arg1: i32, %arg2: memref<16384x512xf32, #tpu.memory_space<hbm>>, %arg3: memref<4096xi32, #tpu.memory_space<hbm>>, %arg4: memref<4096x512xf32, #tpu.memory_space<hbm>>, %arg5: memref<128xi32, #tpu.memory_space<vmem>>, %arg6: memref<128x512xf32, #tpu.memory_space<vmem>>, %arg7: memref<!tpu.dma_semaphore, #tpu.memory_space<semaphore_mem>>) attributes {dimension_semantics = [#tpu.dimension_semantics<core_parallel>, #tpu.dimension_semantics<subcore_parallel>], iteration_bounds = array<i64: 2, 16>, scalar_prefetch = 0 : i64, scratch_operands = 3 : i64, tpu.core_type = #tpu.core_type<sc_vector_subcore>, window_params = [{transform_indices = #map}, {transform_indices = #map1}, {transform_indices = #map}]} {
    %mul3A = arith.constant 2 : i32
    %mul3A_0 = arith.muli %arg1, %mul3A : i32
    %add3A = arith.addi %mul3A_0, %arg0 : i32
    %mul3A_1 = arith.constant 128 : i32
    %mul3A_2 = arith.muli %add3A, %mul3A_1 : i32
    "tpu.region"() ({
      %run_scoped3A = tpu.sem_alloc : memref<!tpu.dma_semaphore, #tpu.memory_space<semaphore_mem>>
      %dma_start3A_7 = tpu.memref_slice %arg3[%mul3A_2] : memref<4096xi32, #tpu.memory_space<hbm>> -> memref<128xi32, #tpu.memory_space<hbm>>
      %dma_start3A_8 = tpu.memref_slice %arg3[%mul3A_2] : memref<4096xi32, #tpu.memory_space<hbm>> -> memref<128xi32, #tpu.memory_space<hbm>>
      tpu.enqueue_dma source(%dma_start3A_8 : memref<128xi32, #tpu.memory_space<hbm>>) target(%arg5 : memref<128xi32, #tpu.memory_space<vmem>>) target_semaphore(%run_scoped3A : memref<!tpu.dma_semaphore, #tpu.memory_space<semaphore_mem>>)
      %dma_wait3A_9 = tpu.memref_slice %arg3[%mul3A_2] : memref<4096xi32, #tpu.memory_space<hbm>> -> memref<128xi32, #tpu.memory_space<hbm>>
      %dma_wait3A_10 = tpu.memref_slice %arg3[%mul3A_2] : memref<4096xi32, #tpu.memory_space<hbm>> -> memref<128xi32, #tpu.memory_space<hbm>>
      tpu.wait_dma2 semaphore(%run_scoped3A : memref<!tpu.dma_semaphore, #tpu.memory_space<semaphore_mem>>) src(%dma_wait3A_10 : memref<128xi32, #tpu.memory_space<hbm>>) dst(%arg5 : memref<128xi32, #tpu.memory_space<vmem>>)
      tpu.yield
    }) : () -> ()
    %dma_start3A = arith.constant 0 : i32
    %dma_start3A_3 = arith.constant 0 : i32
    %dma_start3A_4 = tpu.memref_slice %arg2[%dma_start3A, %dma_start3A_3] : memref<16384x512xf32, #tpu.memory_space<hbm>> -> memref<16384x512xf32, #tpu.memory_space<hbm>>
    tpu.enqueue_indirect_dma source(%dma_start3A_4 : memref<16384x512xf32, #tpu.memory_space<hbm>>) target(%arg6 : memref<128x512xf32, #tpu.memory_space<vmem>>) offsets(%arg5 : memref<128xi32, #tpu.memory_space<vmem>>) semaphore(%arg7 : memref<!tpu.dma_semaphore, #tpu.memory_space<semaphore_mem>>)
    %dma_wait3A = arith.constant 0 : i32
    %dma_wait3A_5 = arith.constant 0 : i32
    %dma_wait3A_6 = tpu.memref_slice %arg2[%dma_wait3A, %dma_wait3A_5] : memref<16384x512xf32, #tpu.memory_space<hbm>> -> memref<16384x512xf32, #tpu.memory_space<hbm>>
    tpu.wait_indirect_dma semaphore(%arg7 : memref<!tpu.dma_semaphore, #tpu.memory_space<semaphore_mem>>) src(%dma_wait3A_6 : memref<16384x512xf32, #tpu.memory_space<hbm>>) dst(%arg6 : memref<128x512xf32, #tpu.memory_space<vmem>>)
    "tpu.region"() ({
      %run_scoped3A = tpu.sem_alloc : memref<!tpu.dma_semaphore, #tpu.memory_space<semaphore_mem>>
      %dma_start3A_7 = arith.constant 0 : i32
      %dma_start3A_8 = tpu.memref_slice %arg4[%mul3A_2, %dma_start3A_7] : memref<4096x512xf32, #tpu.memory_space<hbm>> -> memref<128x512xf32, #tpu.memory_space<hbm>>
      %dma_start3A_9 = arith.constant 0 : i32
      %dma_start3A_10 = tpu.memref_slice %arg4[%mul3A_2, %dma_start3A_9] : memref<4096x512xf32, #tpu.memory_space<hbm>> -> memref<128x512xf32, #tpu.memory_space<hbm>>
      tpu.enqueue_dma source(%arg6 : memref<128x512xf32, #tpu.memory_space<vmem>>) target(%dma_start3A_10 : memref<128x512xf32, #tpu.memory_space<hbm>>) target_semaphore(%run_scoped3A : memref<!tpu.dma_semaphore, #tpu.memory_space<semaphore_mem>>)
      %dma_wait3A_11 = arith.constant 0 : i32
      %dma_wait3A_12 = tpu.memref_slice %arg4[%mul3A_2, %dma_wait3A_11] : memref<4096x512xf32, #tpu.memory_space<hbm>> -> memref<128x512xf32, #tpu.memory_space<hbm>>
      %dma_wait3A_13 = arith.constant 0 : i32
      %dma_wait3A_14 = tpu.memref_slice %arg4[%mul3A_2, %dma_wait3A_13] : memref<4096x512xf32, #tpu.memory_space<hbm>> -> memref<128x512xf32, #tpu.memory_space<hbm>>
      tpu.wait_dma2 semaphore(%run_scoped3A : memref<!tpu.dma_semaphore, #tpu.memory_space<semaphore_mem>>) src(%arg6 : memref<128x512xf32, #tpu.memory_space<vmem>>) dst(%dma_wait3A_14 : memref<128x512xf32, #tpu.memory_space<hbm>>)
      tpu.yield
    }) : () -> ()
    return
  }
}

</mosaic_0001>

<sc_bundles>
// kernel: kernel.3.cloned.1.call-start
scs
__scs_entry_jumppad:
0x0: {  	(pc) =	sbr.rel $0x88, $3  }
0x1: {  	(tag) =	ssettag $0x0;
	lr =	simm.s32 $0x1  }
0x2: {  	[smem:$0x3FA0] =	sst lr;
	_ =	strace $0xD0000000  }
0x3: {  	_ = 	snop  }
0x4: {  	_ = 	snop  }
0x5: {  	_ = 	snop  }
0x6: {  	_ = 	snop  }
0x7: {  	_ = 	snop  }
__scs_overlays_trampoline_lowered:
0x8: {  	[smem:$0x3FAF] =	sst s0  }
0x9: {  	[smem:$0x3FB0] =	sst s1  }
0xa: {  	[smem:$0x3FB1] =	sst s2  }
0xb: {  	[smem:$0x3FB2] =	sst s3  }
0xc: {  	[smem:$0x3FB3] =	sst s4  }
0xd: {  	[smem:$0x3FB4] =	sst s5  }
0xe: {  	[smem:$0x3FB5] =	sst s6  }
0xf: {  	[smem:$0x3FB6] =	sst s7  }
0x10: {  	[smem:$0x3FB7] =	sst s8  }
0x11: {  	[smem:$0x3FB8] =	sst s9;
	s0 =	simm.s32 @!p0 $0x0  }
0x12: {  	s1 =	sld [smem:$0x3F9E];
	s0 =	simm.s32 @p0 $0x1  }
0x13: {  	[smem:$0x3FB9] =	sst s0;
	s0 =	simm.s32 @!p1 $0x0  }
0x14: {  	s2 =	sld [smem:$0x3F9D];
	s0 =	simm.s32 @p1 $0x1  }
0x15: {  	[smem:$0x3FBA] =	sst s0;
	s0 =	simm.s32 @!p2 $0x0  }
0x16: {  	s3 =	sld [smem:$0x3FDB];
	s0 =	simm.s32 @p2 $0x1  }
0x17: {  	s4 =	simm.s32 $0x1BF5;
	[smem:$0x3FBC] =	sst s0  }
0x18: {  	s0 =	sld [smem:$0x3F9F];
	_ =	swait.ge [sflag:s4], $0x0  }
0x19: {  	s7 =	sld [smem:$0x3FA0]  }
0x1a: {  	s8 =	sadd.s32 $0xFFFFE003, lr  }
0x1b: {  	s9 =	sadd.s32 $0xFFFFFEF7, lr;
	s5 =	simm.s32 $0xFFFFFFFF;
	p2 =	slt.u32 s8, $0xFFFFF086  }
0x1c: {  	p1 =	slt.u32 s9, $0xF7A;
	s5 =	simm.s32 @!p2 $0x0  }
0x1d: {  	s5 =	simm.s32 @p1 $0x1;
	p0 =	seq.s32 s7, s2  }
0x1e: {  	s7 =	smul.u32 @!p0 $0xF7A, s2;
	p2 =	seq.s32 @!p0 s5, $0x0  }
0x1f: {  	s9 =	smul.u32 $0xF7A, s1;
	s8 =	simm.s32 @!p0 $0x1BF5;
	p2 =	por !p2, p0  }
0x20: {  	[sflag:s8] =	ssyncset.s32 @!p0 $0xFFFFF086;
	s6 =	sadd.s32 @!p0 s3, s7;
	s7 =	simm.s32 @!p0 $0x108  }
0x21: {  	s3 =	sadd.s32 s3, s9;
	s6 =	sadd.s32 @!p0 $0x88, s6;
	s7 =	simm.s32 @p2 $0x1082  }
0x22: {  	[simem:s7], [sflag:s8] =	dma.local @!p0 [hbm:s6], $0xF7A  }
0x23: {  	s9 =	sor.u32 $0xD0000000, s2;
	s6 =	simm.s32 $0x108;
	_ =	swait.ge @!p0 [sflag:s8], $0x0  }
0x24: {  	s3 =	sadd.s32 $0x88, s3;
	s6 =	simm.s32 @!p1 $0x1082;
	[sflag:s4] =	ssyncset.s32 $0xFFFFF086  }
0x25: {  	[simem:s6], [sflag:s4] =	dma.local [hbm:s3], $0xF7A  }
0x26: {  	[smem:$0x3FA0] =	sst s1;
	(tag) =	ssettag s2;
	_ =	strace s9  }
0x27: {  	s1 =	sld [smem:$0x3FB0]  }
0x28: {  	s2 =	sld [smem:$0x3FB1]  }
0x29: {  	s4 =	sld [smem:$0x3FB3]  }
0x2a: {  	p0 =	seq.s32 s5, $0x0;
	s5 =	sld [smem:$0x3FB4]  }
0x2b: {  	s6 =	sld [smem:$0x3FB5]  }
0x2c: {  	s7 =	sld [smem:$0x3FB6]  }
0x2d: {  	s3 =	simm.s32 $0x108;
	s8 =	sld [smem:$0x3FB7]  }
0x2e: {  	s3 =	simm.s32 @!p0 $0x1082;
	s9 =	sld [smem:$0x3FB8]  }
0x2f: {  	lr =	sadd.s32 s0, s3;
	s0 =	sld [smem:$0x3FAF]  }
0x30: {  	s3 =	sld [smem:$0x3FB2]  }
0x31: {  	[smem:$0x3FBB] =	sst s10  }
0x32: {  	s10 =	sld [smem:$0x3FB9];
	_ =	sdelay $0x3  }
0x33: {  	p0 =	seq.s32 s10, $0x1;
	s10 =	sld [smem:$0x3FBB];
	_ =	sdelay $0x3  }
0x34: {  	[smem:$0x3FBB] =	sst s10  }
0x35: {  	s10 =	sld [smem:$0x3FBA];
	_ =	sdelay $0x3  }
0x36: {  	p1 =	seq.s32 s10, $0x1;
	s10 =	sld [smem:$0x3FBB];
	_ =	sdelay $0x3  }
0x37: {  	[smem:$0x3FBB] =	sst s10  }
0x38: {  	s10 =	sld [smem:$0x3FBC]  }
0x39: {  	_ = 	snop;
	(pc) =	sbr.ind lr, $3  }
0x3a: {  	_ = 	snop  }
0x3b: {  	_ = 	snop  }
0x3c: {  	p2 =	seq.s32 s10, $0x1;
	s10 =	sld [smem:$0x3FBB]  }
0x3d: {  	_ =	shalt  }
0x3e: {  	_ =	shalt  }
0x3f: {  	_ =	shalt  }
0x40: {  	_ =	shalt  }
0x41: {  	_ =	shalt  }
0x42: {  	_ =	shalt  }
0x43: {  	_ =	shalt  }
0x44: {  	_ =	shalt  }
0x45: {  	_ =	shalt  }
0x46: {  	_ =	shalt  }
0x47: {  	_ =	shalt  }
0x48: {  	_ =	shalt  }
0x49: {  	_ =	shalt  }
0x4a: {  	_ =	shalt  }
0x4b: {  	_ =	shalt  }
0x4c: {  	_ =	shalt  }
0x4d: {  	_ =	shalt  }
0x4e: {  	_ =	shalt  }
0x4f: {  	_ =	shalt  }
0x50: {  	_ =	shalt  }
0x51: {  	_ =	shalt  }
0x52: {  	_ =	shalt  }
0x53: {  	_ =	shalt  }
0x54: {  	_ =	shalt  }
0x55: {  	_ =	shalt  }
0x56: {  	_ =	shalt  }
0x57: {  	_ =	shalt  }
0x58: {  	_ =	shalt  }
0x59: {  	_ =	shalt  }
0x5a: {  	_ =	shalt  }
0x5b: {  	_ =	shalt  }
0x5c: {  	_ =	shalt  }
0x5d: {  	_ =	shalt  }
0x5e: {  	_ =	shalt  }
0x5f: {  	_ =	shalt  }
0x60: {  	_ =	shalt  }
0x61: {  	_ =	shalt  }
0x62: {  	_ =	shalt  }
0x63: {  	_ =	shalt  }
0x64: {  	_ =	shalt  }
0x65: {  	_ =	shalt  }
0x66: {  	_ =	shalt  }
0x67: {  	_ =	shalt  }
0x68: {  	_ =	shalt  }
0x69: {  	_ =	shalt  }
0x6a: {  	_ =	shalt  }
0x6b: {  	_ =	shalt  }
0x6c: {  	_ =	shalt  }
0x6d: {  	_ =	shalt  }
0x6e: {  	_ =	shalt  }
0x6f: {  	_ =	shalt  }
0x70: {  	_ =	shalt  }
0x71: {  	_ =	shalt  }
0x72: {  	_ =	shalt  }
0x73: {  	_ =	shalt  }
0x74: {  	_ =	shalt  }
0x75: {  	_ =	shalt  }
0x76: {  	_ =	shalt  }
0x77: {  	_ =	shalt  }
0x78: {  	_ =	shalt  }
0x79: {  	_ =	shalt  }
0x7a: {  	_ =	shalt  }
0x7b: {  	_ =	shalt  }
0x7c: {  	_ =	shalt  }
0x7d: {  	_ =	shalt  }
0x7e: {  	_ =	shalt  }
0x7f: {  	_ =	shalt  }
0x80: {  	_ =	shalt  }
0x81: {  	_ =	shalt  }
0x82: {  	_ =	shalt  }
0x83: {  	_ =	shalt  }
0x84: {  	_ =	shalt  }
0x85: {  	_ =	shalt  }
0x86: {  	_ =	shalt  }
0x87: {  	_ =	shalt  }
.Lfunc_end0:
.L_simem_size_0:
called_computation_lowered:
.L_overlay_start_0:
0x88: {  	s2 =	sld [smem:$0x3FD9]  }
0x89: {  	s3 =	sld [smem:$0x3FFE];
	_ =	sdelay $0x1  }
0x8a: {  	s1 =	srdreg.scid  }
0x8b: {  	s0 =	sand.u32 $0x1, s1  }
0x8c: {  	s17 =	sshll.u32 s0, $0xA;
	s2 =	sadd.s32 s3, s2  }
0x8d: {  	s2 =	sadd.s32 s2, s17  }
0x8e: {  	[smem:$0x3FC7] =	sst s2  }
0x8f: {  	_ = 	snop  }
0x90: {  	s2 =	sld [smem:$0x3FC9]  }
0x91: {  	s18 =	sld [smem:$0x3FD0];
	(tm) =	ssettm $0x1  }
0x92: {  	s4 =	sld [smem:$0x3FFB];
	_ =	sdelay $0x3  }
0x93: {  	_ =	strace s4  }
0x94: {  	s4 =	sld [smem:$0x3FFC];
	_ =	sdelay $0x3  }
0x95: {  	_ =	strace s4  }
0x96: {  	s4 =	sld [smem:$0x3FFD];
	_ =	sdelay $0x3  }
0x97: {  	_ =	strace s4  }
0x98: {  	_ =	strace $0x8FFFFFFF  }
0x99: {  	s19 =	sld [smem:$0x3FDB];
	_ =	sdelay $0x1  }
0x9a: {  	s5 =	simm.s32 $_scs_section_size  }
0x9b: {  	s6 =	simm.s32 $_size__tile_overlayer_lowered;
	s7 =	simm.s32 $_tile_overlayer_lowered  }
0x9c: {  	s22 =	simm.s32 $0x1BFF;
	s21 =	sshll.u32 s7, $0x1;
	s4 =	sadd.s32 s5, s19  }
0x9d: {  	s8 =	simm.s32 $0x0;
	s20 =	sshll.u32 s6, $0x1;
	s6 =	sadd.s32 s21, s4  }
0x9e: {  	[timem:s8], [sflag:s22] =	dma.local [hbm:s6], s20  }
0x9f: {  	_ =	swait.ge [sflag:s22], s20  }
0xa0: {  	s5 =	ssub.s32 $0x0, s20;
	[sflag:s22] =	ssyncset.done $0x0  }
0xa1: {  	[sflag:s22] =	ssyncadd.s32 s5;
	_ =	sdelay $0x1  }
0xa2: {  	s23 =	simm.s32 $0x1B8B  }
0xa3: {  	_ =	swait.ge [sflag:s23], $0x1  }
0xa4: {  	[sflag:s23] =	ssyncset.done $0x0  }
0xa5: {  	s25 =	simm.s32 $0x1B8E;
	s24 =	sld [smem:$0x3FFE];
	[sflag:s23] =	ssyncadd.s32 $0xFFFFFFFF  }
0xa6: {  	s26 =	simm.s32 $execute0_lowered;
	[smem:$0x3FD2] =	sst s25  }
0xa7: {  	s6 =	sshll.u32 s26, $0x1;
	_ =	strace $0x80000046;
	[dreg:$0x1] =	wrdreg $0xFFFFFFFF  }
0xa8: {  	s28 =	simm.s32 $_size_execute0_lowered;
	s4 =	sadd.s32 s4, s6;
	[dreg:$0x0] =	wrdreg $0x0  }
0xa9: {  	s6 =	sshll.u32 s28, $0x1;
	[dreg:$0x2] =	wrdreg s4  }
0xaa: {  	[dreg:$0x3] =	wrdreg s6  }
0xab: {  	[dreg:$0x4] =	wrdreg $0xC0  }
0xac: {  	_ =	task [dreg:s8], $0x5FFFF  }
0xad: {  	[dreg:$0x1] =	wrdreg $0xFFFFFFFF  }
0xae: {  	[dreg:$0x0] =	wrdreg $0x60  }
0xaf: {  	[dreg:$0x2] =	wrdreg s2  }
0xb0: {  	[dreg:$0x3] =	wrdreg s24  }
0xb1: {  	[dreg:$0x4] =	wrdreg s18  }
0xb2: {  	[dreg:$0x5] =	wrdreg $0x9  }
0xb3: {  	_ =	task.clear_ibuf [dreg:s8], $0x6FFFF;
	_ =	strace $0x90000046  }
0xb4: {  	s29 =	simm.s32 $0x9;
	_ =	strace $0x80000048  }
0xb5: {  	_ =	swait.ge [sflag:s29], $0x1  }
0xb6: {  	[sflag:s29] =	ssyncadd.s32 $0xFFFFFFFF  }
0xb7: {  	_ =	strace $0x90000048  }
0xb8: {  	_ =	sfence  }
0xb9: {  	s30 =	sld [smem:$0x0];
	_ =	sdelay $0x2  }
0xba: {  	s31 =	sshll.u32 s1, $0xD;
	s1 =	sshrl.u32 s1, $0x2  }
0xbb: {  	s3 =	sand.u32 $0x4000, s31;
	s1 =	sadd.s32 s1, s30  }
0xbc: {  	s0 =	sor.u32 s3, s0;
	s1 =	sshll.u32 s1, $0x11  }
0xbd: {  	s0 =	sor.u32 s1, s0  }
0xbe: {  	s0 =	sadd.s32 $0x8F2B, s0  }
0xbf: {  	[sflag:s0] =	ssyncadd.remote.s32 $0x1  }
0xc0: {  	_ =	sfence.sel $0xFFFF  }
0xc1: {  	[dreg:$0x0] =	wrdreg $0xFFFFFFFF;
	(pc) =	sbr.abs _section_cstart, $3  }
0xc2: {  	[dreg:$0x1] =	wrdreg $0xFFFFFFFF  }
0xc3: {  	_ =	task.clear_ibuf [dreg:s8], $0x2FFFF;
	_ =	strace $0x9FFFFFFF  }
0xc4: {  	(tm) =	ssettm $0x7FFFFFFF  }
0xc5: {  	_ =	shalt  }
tec
execute0_lowered:
.L_overlay_start_1:
0x0: {  	(tag) =	ssettag $0x1  }
0x1: {  	s1 =	rddreg [dreg:$0x0]  }
0x2: {  	s2 =	srdreg.scid;
	s4 =	rddreg [dreg:$0x1]  }
0x3: {  	s0 =	stileid.u32;
	s6 =	rddreg [dreg:$0x2]  }
0x4: {  	s18 =	simm.s32 $0x880;
	s19 =	simm.s32 $0x1080;
	s20 =	simm.s32 $0x1880  }
0x5: {  	s21 =	simm.s32 $0x2080;
	s23 =	simm.s32 $0x2880;
	s24 =	simm.s32 $0x3080  }
0x6: {  	s25 =	simm.s32 $0x3880;
	s26 =	simm.s32 $0x4080;
	s9 =	simm.s32 $0x5080  }
0x7: {  	s10 =	simm.s32 $0x5880;
	s11 =	simm.s32 $0x6080;
	s12 =	simm.s32 $0x6880  }
0x8: {  	s13 =	simm.s32 $0x7080;
	s14 =	simm.s32 $0x7880;
	s2 =	sand.u32 $0x1, s2  }
0x9: {  	s15 =	simm.s32 $0x8080;
	s3 =	sshll.u32 s0, $0x8;
	s5 =	sshll.u32 s2, $0x7  }
0xa: {  	s16 =	simm.s32 $0x8880;
	s5 =	sor.u32 s5, s3;
	s3 =	simm.s32 $0x0  }
0xb: {  	s28 =	simm.s32 $0xE080;
	s29 =	simm.s32 $0xE880;
	[smem:$0x7FF] =	sst s3  }
0xc: {  	s30 =	simm.s32 $0xF080;
	_ =	strace $0x80000047;
	[dreg:$0x6] =	wrdreg s18  }
0xd: {  	s31 =	simm.s32 $0xF880;
	s2 =	ssub.s32 $0x2, s2;
	[dreg:$0x7] =	wrdreg s19  }
0xe: {  	s22 =	sshrl.u32 s2, $0x1;
	s7 =	sshrl.u32 s5, $0x3;
	[dreg:$0x8] =	wrdreg s20  }
0xf: {  	s5 =	sshll.u32 s5, $0x6;
	s2 =	ssub.s32 s2, s22;
	[dreg:$0x9] =	wrdreg s21  }
0x10: {  	s22 =	simm.s32 $0xB880;
	s4 =	sadd.s32 s7, s4;
	[dreg:$0xa] =	wrdreg s23  }
0x11: {  	s17 =	sadd.s32 s6, s5;
	[dreg:$0xb] =	wrdreg s24;
	s5 =	smax.u32 s2, $0x1  }
0x12: {  	[dreg:$0xc] =	wrdreg s25;
	s6 =	simm.s32 $0x2;
	s7 =	simm.s32 $0x80  }
0x13: {  	[dreg:$0xd] =	wrdreg s26;
	s18 =	simm.s32 $0x9880;
	s19 =	simm.s32 $0xA080  }
0x14: {  	s20 =	simm.s32 $0xA880;
	s21 =	simm.s32 $0xB080;
	s23 =	simm.s32 $0xC080  }
0x15: {  	v2 =	vlaneseq.u32;
	s24 =	simm.s32 $0xC880;
	s25 =	simm.s32 $0xD080;
	s26 =	simm.s32 $0xD880  }
0x16: {  	vm0 =	vmmov $0xffff;
	v1 =	vshrl.u32 v2, $0x3;
	s2 =	simm.s32 $0x1;
	s4 =	sadd.s32 $0x400, s4;
	[dreg:$0x5] =	wrdreg s17  }
0x17: {  	v0 =	vand.u32 $0x7, v2;
	v2 =	vor.u32 $0x8, v2;
	v1 =	vmul.u32 $0x8, v1;
	s17 =	simm.s32 $0x9080;
	[dreg:$0x4] =	wrdreg s4;
	s4 =	sadd.s32 $0x100, s1  }
.LBB2_1:
0x18: {  	s0 =	rddreg [dreg:$0x4]  }
0x19: {  	[tilespmem:s3], [sflag:$0x2] =	stream.linear.gather [hbm4b:s0+s3], $0x80, $0x38;
	[tilespmem:$0x10080] =	vst v63  }
0x1a: {  	_ =	swait.ge [sflag:s6], $0x80  }
0x1b: {  	[sflag:s6] =	ssyncset.done $0x0  }
0x1c: {  	[sflag:s6] =	ssyncadd.s32 $0xFFFFFF80  }
0x1d: {  	v3 =	vld [tilespmem:$0x0];
	_ =	sdelay $0x4  }
0x1e: {  	v4 =	vshll.u32 v3, $0x2  }
0x1f: {  	v3 =	vand.u32 $0x7, v3;
	v4 =	vand.u32 $0xFFFFFFE0, v4  }
0x20: {  	v3 =	vor.u32 v3, v4  }
0x21: {  	v4 =	vperm.xlane v3, v0;
	_ =	sdelay $0x1  }
0x22: {  	v4 =	vadd.s32 v1, v4;
	_ =	sdelay $0x1  }
0x23: {  	v3 =	vperm.xlane v3, v2;
	_ =	sdelay $0x1  }
0x24: {  	v3 =	vadd.s32 v1, v3  }
0x25: {  	[tilespmem:s7], [sflag:$0x1] =	stream.indirect_vreg.gather [hbm4b:s1+s3], $0x80, v4, vm0, $0xb8;
	[tilespmem:$0x10080] =	vst v63  }
0x26: {  	s0 =	rddreg [dreg:$0x6]  }
0x27: {  	[tilespmem:s0], [sflag:$0x1] =	stream.indirect_vreg.gather [hbm4b:s4+s3], $0x80, v4, vm0, $0xb8;
	[tilespmem:$0x10080] =	vst v63  }
0x28: {  	s8 =	rddreg [dreg:$0x7]  }
0x29: {  	[tilespmem:s8], [sflag:$0x1] =	stream.indirect_vreg.gather [hbm4b:s1+s3], $0x80, v3, vm0, $0xb8;
	[tilespmem:$0x10080] =	vst v63  }
0x2a: {  	s0 =	rddreg [dreg:$0x8]  }
0x2b: {  	[tilespmem:s0], [sflag:$0x1] =	stream.indirect_vreg.gather [hbm4b:s4+s3], $0x80, v3, vm0, $0xb8;
	[tilespmem:$0x10080] =	vst v63  }
0x2c: {  	v3 =	vld [tilespmem:$0x10];
	_ =	sdelay $0x4  }
0x2d: {  	v57 =	vshll.u32 v3, $0x2  }
0x2e: {  	v3 =	vand.u32 $0x7, v3;
	v4 =	vand.u32 $0xFFFFFFE0, v57  }
0x2f: {  	v3 =	vor.u32 v3, v4  }
0x30: {  	v4 =	vperm.xlane v3, v0;
	_ =	sdelay $0x1  }
0x31: {  	v4 =	vadd.s32 v1, v4;
	_ =	sdelay $0x1  }
0x32: {  	v3 =	vperm.xlane v3, v2;
	_ =	sdelay $0x1  }
0x33: {  	s0 =	rddreg [dreg:$0x9];
	v3 =	vadd.s32 v1, v3  }
0x34: {  	[tilespmem:s0], [sflag:$0x1] =	stream.indirect_vreg.gather [hbm4b:s1+s3], $0x80, v4, vm0, $0xb8;
	[tilespmem:$0x10080] =	vst v63  }
0x35: {  	s8 =	rddreg [dreg:$0xa]  }
0x36: {  	[tilespmem:s8], [sflag:$0x1] =	stream.indirect_vreg.gather [hbm4b:s4+s3], $0x80, v4, vm0, $0xb8;
	[tilespmem:$0x10080] =	vst v63  }
0x37: {  	s0 =	rddreg [dreg:$0xb]  }
0x38: {  	[tilespmem:s0], [sflag:$0x1] =	stream.indirect_vreg.gather [hbm4b:s1+s3], $0x80, v3, vm0, $0xb8;
	[tilespmem:$0x10080] =	vst v63  }
0x39: {  	s8 =	rddreg [dreg:$0xc]  }
0x3a: {  	[tilespmem:s8], [sflag:$0x1] =	stream.indirect_vreg.gather [hbm4b:s4+s3], $0x80, v3, vm0, $0xb8;
	[tilespmem:$0x10080] =	vst v63  }
0x3b: {  	v3 =	vld [tilespmem:$0x20];
	_ =	sdelay $0x4  }
0x3c: {  	v58 =	vshll.u32 v3, $0x2  }
0x3d: {  	v3 =	vand.u32 $0x7, v3;
	v4 =	vand.u32 $0xFFFFFFE0, v58  }
0x3e: {  	v3 =	vor.u32 v3, v4  }
0x3f: {  	v4 =	vperm.xlane v3, v0;
	_ =	sdelay $0x1  }
0x40: {  	v4 =	vadd.s32 v1, v4;
	_ =	sdelay $0x1  }
0x41: {  	v3 =	vperm.xlane v3, v2;
	_ =	sdelay $0x1  }
0x42: {  	s8 =	rddreg [dreg:$0xd];
	v3 =	vadd.s32 v1, v3  }
0x43: {  	[tilespmem:s8], [sflag:$0x1] =	stream.indirect_vreg.gather [hbm4b:s1+s3], $0x80, v4, vm0, $0xb8;
	[tilespmem:$0x10080] =	vst v63  }
0x44: {  	s8 =	simm.s32 $0x4880  }
0x45: {  	[tilespmem:s8], [sflag:$0x1] =	stream.indirect_vreg.gather [hbm4b:s4+s3], $0x80, v4, vm0, $0xb8;
	[tilespmem:$0x10080] =	vst v63  }
0x46: {  	_ = 	snop  }
0x47: {  	[tilespmem:s9], [sflag:$0x1] =	stream.indirect_vreg.gather [hbm4b:s1+s3], $0x80, v3, vm0, $0xb8;
	[tilespmem:$0x10080] =	vst v63  }
0x48: {  	_ = 	snop  }
0x49: {  	[tilespmem:s10], [sflag:$0x1] =	stream.indirect_vreg.gather [hbm4b:s4+s3], $0x80, v3, vm0, $0xb8;
	[tilespmem:$0x10080] =	vst v63  }
0x4a: {  	v3 =	vld [tilespmem:$0x30];
	_ =	sdelay $0x4  }
0x4b: {  	v59 =	vshll.u32 v3, $0x2  }
0x4c: {  	v3 =	vand.u32 $0x7, v3;
	v4 =	vand.u32 $0xFFFFFFE0, v59  }
0x4d: {  	v3 =	vor.u32 v3, v4  }
0x4e: {  	v4 =	vperm.xlane v3, v0;
	_ =	sdelay $0x1  }
0x4f: {  	v4 =	vadd.s32 v1, v4;
	_ =	sdelay $0x1  }
0x50: {  	v3 =	vperm.xlane v3, v2;
	_ =	sdelay $0x1  }
0x51: {  	v3 =	vadd.s32 v1, v3  }
0x52: {  	[tilespmem:s11], [sflag:$0x1] =	stream.indirect_vreg.gather [hbm4b:s1+s3], $0x80, v4, vm0, $0xb8;
	[tilespmem:$0x10080] =	vst v63  }
0x53: {  	_ = 	snop  }
0x54: {  	[tilespmem:s12], [sflag:$0x1] =	stream.indirect_vreg.gather [hbm4b:s4+s3], $0x80, v4, vm0, $0xb8;
	[tilespmem:$0x10080] =	vst v63  }
0x55: {  	_ = 	snop  }
0x56: {  	[tilespmem:s13], [sflag:$0x1] =	stream.indirect_vreg.gather [hbm4b:s1+s3], $0x80, v3, vm0, $0xb8;
	[tilespmem:$0x10080] =	vst v63  }
0x57: {  	_ = 	snop  }
0x58: {  	[tilespmem:s14], [sflag:$0x1] =	stream.indirect_vreg.gather [hbm4b:s4+s3], $0x80, v3, vm0, $0xb8;
	[tilespmem:$0x10080] =	vst v63  }
0x59: {  	v3 =	vld [tilespmem:$0x40];
	_ =	sdelay $0x4  }
0x5a: {  	v60 =	vshll.u32 v3, $0x2  }
0x5b: {  	v3 =	vand.u32 $0x7, v3;
	v4 =	vand.u32 $0xFFFFFFE0, v60  }
0x5c: {  	v3 =	vor.u32 v3, v4  }
0x5d: {  	v4 =	vperm.xlane v3, v0;
	_ =	sdelay $0x1  }
0x5e: {  	v4 =	vadd.s32 v1, v4;
	_ =	sdelay $0x1  }
0x5f: {  	v3 =	vperm.xlane v3, v2;
	_ =	sdelay $0x1  }
0x60: {  	v3 =	vadd.s32 v1, v3  }
0x61: {  	[tilespmem:s15], [sflag:$0x1] =	stream.indirect_vreg.gather [hbm4b:s1+s3], $0x80, v4, vm0, $0xb8;
	[tilespmem:$0x10080] =	vst v63  }
0x62: {  	_ = 	snop  }
0x63: {  	[tilespmem:s16], [sflag:$0x1] =	stream.indirect_vreg.gather [hbm4b:s4+s3], $0x80, v4, vm0, $0xb8;
	[tilespmem:$0x10080] =	vst v63  }
0x64: {  	_ = 	snop  }
0x65: {  	[tilespmem:s17], [sflag:$0x1] =	stream.indirect_vreg.gather [hbm4b:s1+s3], $0x80, v3, vm0, $0xb8;
	[tilespmem:$0x10080] =	vst v63  }
0x66: {  	_ = 	snop  }
0x67: {  	[tilespmem:s18], [sflag:$0x1] =	stream.indirect_vreg.gather [hbm4b:s4+s3], $0x80, v3, vm0, $0xb8;
	[tilespmem:$0x10080] =	vst v63  }
0x68: {  	v3 =	vld [tilespmem:$0x50];
	_ =	sdelay $0x4  }
0x69: {  	v61 =	vshll.u32 v3, $0x2  }
0x6a: {  	v3 =	vand.u32 $0x7, v3;
	v4 =	vand.u32 $0xFFFFFFE0, v61  }
0x6b: {  	v3 =	vor.u32 v3, v4  }
0x6c: {  	v4 =	vperm.xlane v3, v0;
	_ =	sdelay $0x1  }
0x6d: {  	v4 =	vadd.s32 v1, v4;
	_ =	sdelay $0x1  }
0x6e: {  	v3 =	vperm.xlane v3, v2;
	_ =	sdelay $0x1  }
0x6f: {  	v3 =	vadd.s32 v1, v3  }
0x70: {  	[tilespmem:s19], [sflag:$0x1] =	stream.indirect_vreg.gather [hbm4b:s1+s3], $0x80, v4, vm0, $0xb8;
	[tilespmem:$0x10080] =	vst v63  }
0x71: {  	_ = 	snop  }
0x72: {  	[tilespmem:s20], [sflag:$0x1] =	stream.indirect_vreg.gather [hbm4b:s4+s3], $0x80, v4, vm0, $0xb8;
	[tilespmem:$0x10080] =	vst v63  }
0x73: {  	_ = 	snop  }
0x74: {  	[tilespmem:s21], [sflag:$0x1] =	stream.indirect_vreg.gather [hbm4b:s1+s3], $0x80, v3, vm0, $0xb8;
	[tilespmem:$0x10080] =	vst v63  }
0x75: {  	_ = 	snop  }
0x76: {  	[tilespmem:s22], [sflag:$0x1] =	stream.indirect_vreg.gather [hbm4b:s4+s3], $0x80, v3, vm0, $0xb8;
	[tilespmem:$0x10080] =	vst v63  }
0x77: {  	v3 =	vld [tilespmem:$0x60];
	_ =	sdelay $0x4  }
0x78: {  	v62 =	vshll.u32 v3, $0x2  }
0x79: {  	v3 =	vand.u32 $0x7, v3;
	v4 =	vand.u32 $0xFFFFFFE0, v62  }
0x7a: {  	v3 =	vor.u32 v3, v4  }
0x7b: {  	v4 =	vperm.xlane v3, v0;
	_ =	sdelay $0x1  }
0x7c: {  	v4 =	vadd.s32 v1, v4;
	_ =	sdelay $0x1  }
0x7d: {  	v3 =	vperm.xlane v3, v2;
	_ =	sdelay $0x1  }
0x7e: {  	v3 =	vadd.s32 v1, v3  }
0x7f: {  	[tilespmem:s23], [sflag:$0x1] =	stream.indirect_vreg.gather [hbm4b:s1+s3], $0x80, v4, vm0, $0xb8;
	[tilespmem:$0x10080] =	vst v63  }
0x80: {  	_ = 	snop  }
0x81: {  	[tilespmem:s24], [sflag:$0x1] =	stream.indirect_vreg.gather [hbm4b:s4+s3], $0x80, v4, vm0, $0xb8;
	[tilespmem:$0x10080] =	vst v63  }
0x82: {  	_ = 	snop  }
0x83: {  	[tilespmem:s25], [sflag:$0x1] =	stream.indirect_vreg.gather [hbm4b:s1+s3], $0x80, v3, vm0, $0xb8;
	[tilespmem:$0x10080] =	vst v63  }
0x84: {  	_ = 	snop  }
0x85: {  	[tilespmem:s26], [sflag:$0x1] =	stream.indirect_vreg.gather [hbm4b:s4+s3], $0x80, v3, vm0, $0xb8;
	[tilespmem:$0x10080] =	vst v63  }
0x86: {  	v3 =	vld [tilespmem:$0x70];
	_ =	sdelay $0x4  }
0x87: {  	v63 =	vshll.u32 v3, $0x2  }
0x88: {  	v3 =	vand.u32 $0x7, v3;
	v4 =	vand.u32 $0xFFFFFFE0, v63  }
0x89: {  	v3 =	vor.u32 v3, v4  }
0x8a: {  	v4 =	vperm.xlane v3, v0;
	_ =	sdelay $0x1  }
0x8b: {  	v4 =	vadd.s32 v1, v4;
	_ =	sdelay $0x1  }
0x8c: {  	v3 =	vperm.xlane v3, v2;
	_ =	sdelay $0x1  }
0x8d: {  	v3 =	vadd.s32 v1, v3  }
0x8e: {  	[tilespmem:s28], [sflag:$0x1] =	stream.indirect_vreg.gather [hbm4b:s1+s3], $0x80, v4, vm0, $0xb8;
	[tilespmem:$0x10080] =	vst v63  }
0x8f: {  	_ = 	snop  }
0x90: {  	[tilespmem:s29], [sflag:$0x1] =	stream.indirect_vreg.gather [hbm4b:s4+s3], $0x80, v4, vm0, $0xb8;
	[tilespmem:$0x10080] =	vst v63  }
0x91: {  	_ = 	snop  }
0x92: {  	[tilespmem:s30], [sflag:$0x1] =	stream.indirect_vreg.gather [hbm4b:s1+s3], $0x80, v3, vm0, $0xb8;
	[tilespmem:$0x10080] =	vst v63  }
0x93: {  	_ = 	snop  }
0x94: {  	[tilespmem:s31], [sflag:$0x1] =	stream.indirect_vreg.gather [hbm4b:s4+s3], $0x80, v3, vm0, $0xb8;
	[tilespmem:$0x10080] =	vst v63  }
0x95: {  	_ =	swait.ge [sflag:s2], $0x10000  }
0x96: {  	p0 =	sne.s32 s5, $0x1;
	[sflag:s2] =	ssyncset.done $0x0  }
.Ltmp0:
0x97: {  	s8 =	rddreg [dreg:$0x5];
	[sflag:s2] =	ssyncadd.s32 $0xFFFF0000;
	(pc) =	sbr.rel @p0 .LBB2_1-.Ltmp0, $4  }
0x98: {  	[hbm4b:s8+s3] =	stream.linear.scatter [tilespmem:s7], [sflag:$0x2], $0x10000, $0x38;
	[tilespmem:$0x10080] =	vst v63  }
0x99: {  	_ =	swait.ge [sflag:s6], $0x10000  }
0x9a: {  	[sflag:s6] =	ssyncset.done $0x0  }
0x9b: {  	s5 =	sadd.s32 $0xFFFFFFFF, s5;
	[sflag:s6] =	ssyncadd.s32 $0xFFFF0000  }
0x9c: {  	_ =	sfence.sel $0x180000  }
0x9d: {  	[bflag:$0x0] =	sbarrier.arrive $0xFFFF  }
0x9e: {  	_ =	strace $0x90000047  }
0x9f: {  	s0 =	stileid.u32;
	[bflag:$0x2] =	sbarrier.arrive $0xFFFF  }
0xa0: {  	p0 =	sne.s32 s0, $0x0;
	s0 =	rddreg [dreg:$0x3]  }
0xa1: {  	s0 =	sadd.s32 @!p0 $0x100000, s0  }
0xa2: {  	[sflag:s0] =	ssyncadd.tile.s32 @!p0 $0x1;
	_ =	shalt  }
.Lfunc_end2:
_tile_overlayer_lowered:
.L_overlay_start_2:
0xa3: {  	(tag) =	ssettag $0x2  }
0xa4: {  	s0 =	rddreg [dreg:$0x0];
	s2 =	stileid.u32  }
0xa5: {  	s1 =	rddreg [dreg:$0x1];
	p0 =	sne.s32 s2, $0x0  }
0xa6: {  	s3 =	rddreg [dreg:$0x2];
	[bflag:$0x3] =	sbarrier.arrive $0xFFFF;
	s2 =	simm.s32 @!p0 $0x1C02  }
0xa7: {  	[timem:s3], [sflag:s2] =	dma.local @!p0 [hbm:s0], s1  }
0xa8: {  	s0 =	simm.s32 @!p0 $0x2  }
0xa9: {  	_ =	swait.ge @!p0 [sflag:s0], s1  }
0xaa: {  	s1 =	ssub.s32 @!p0 $0x0, s1;
	[sflag:s0] =	ssyncset.done @!p0 $0x0  }
0xab: {  	[sflag:s0] =	ssyncadd.s32 @!p0 s1  }
0xac: {  	[bflag:$0x3] =	sbarrier.arrive $0xFFFF  }
0xad: {  	_ =	shalt  }

</sc_bundles>
